<compile_context>
chip_gen: v7x
topology: tpu7x:2x2x1
jax: 0.10.2.dev20260603
libtpu: 0.0.44.dev20260713+nightly
codegen_flags: <defaults>
</compile_context>

<pallas_src>
import jax
import jax.numpy as jnp
from jax import lax
from jax.experimental import pallas as pl
from jax.experimental.pallas import tpu as pltpu
from jax.experimental.pallas import tpu_sc as plsc

_BATCH = 16384
_DIM = 128
_NC = 2
_NS = 16
_NW = _NC * _NS
_BPW = _BATCH // _NW
_P = 128
_NBUF = 4
_LEAD = 3


def _sc_gather_body(u_hbm, ui_hbm, i_hbm, ii_hbm, ou_hbm, oi_hbm,
                    uidx_v, iidx_v, bufs_and_sems):
    bufs = bufs_and_sems[:_NBUF]
    gsem = bufs_and_sems[_NBUF:2 * _NBUF]
    wsem = bufs_and_sems[2 * _NBUF:]
    wid = lax.axis_index("s") * _NC + lax.axis_index("c")
    base = wid * _BPW
    uic = pltpu.async_copy(ui_hbm.at[pl.ds(base, _BPW)], uidx_v, gsem[0])
    iic = pltpu.async_copy(ii_hbm.at[pl.ds(base, _BPW)], iidx_v, gsem[1])
    uic.wait()
    iic.wait()

    npieces = _BPW // _P
    items = []
    for p in range(npieces):
        items.append((u_hbm, uidx_v, ou_hbm, p))
        items.append((i_hbm, iidx_v, oi_hbm, p))
    n = len(items)

    def start_gather(j):
        tab, idx, _, p = items[j]
        b = j % _NBUF
        return pltpu.async_copy(
            tab.at[idx.at[pl.ds(p * _P, _P)]], bufs[b], gsem[b])

    gcp = {}
    wcp = {}
    for j in range(min(_LEAD, n)):
        gcp[j] = start_gather(j)
    for j in range(n):
        b = j % _NBUF
        gcp[j].wait()
        _, _, out, p = items[j]
        wcp[j] = pltpu.async_copy(
            bufs[b], out.at[pl.ds(base + p * _P, _P)], wsem[b])
        nxt = j + _LEAD
        if nxt < n:
            prev = nxt - _NBUF
            if prev >= 0:
                wcp[prev].wait()
            gcp[nxt] = start_gather(nxt)
    for j in range(max(0, n - _NBUF), n):
        wcp[j].wait()


def _sc_gather(uEmbed, userIdx, iEmbed, itemIdx):
    mesh = plsc.VectorSubcoreMesh(core_axis_name="c", subcore_axis_name="s")
    scratch = (
        [pltpu.VMEM((_BPW,), jnp.int32), pltpu.VMEM((_BPW,), jnp.int32)]
        + [pltpu.VMEM((_P, _DIM), jnp.float32) for _ in range(_NBUF)]
        + [pltpu.SemaphoreType.DMA for _ in range(2 * _NBUF)]
    )

    def body(u_hbm, ui_hbm, i_hbm, ii_hbm, ou_hbm, oi_hbm, uidx_v, iidx_v,
             *bufs_and_sems):
        _sc_gather_body(u_hbm, ui_hbm, i_hbm, ii_hbm, ou_hbm, oi_hbm,
                        uidx_v, iidx_v, bufs_and_sems)

    k = pl.kernel(
        body,
        mesh=mesh,
        out_type=(
            jax.ShapeDtypeStruct((_BATCH, _DIM), jnp.float32),
            jax.ShapeDtypeStruct((_BATCH, _DIM), jnp.float32),
        ),
        scratch_types=scratch,
    )
    return k(uEmbed, userIdx, iEmbed, itemIdx)


_HID = 64
_BB = 8192


def _mlp_body(u_ref, i_ref, w_ref, b1_ref, w2_ref, b2_ref, o_ref):
    u = u_ref[...].astype(jnp.bfloat16)
    i = i_ref[...].astype(jnp.bfloat16)
    w = w_ref[...].astype(jnp.bfloat16)
    dn = (((1,), (1,)), ((), ()))
    h = jax.lax.dot_general(u, w[:, :_DIM], dn,
                            preferred_element_type=jnp.float32)
    h = h + jax.lax.dot_general(i, w[:, _DIM:], dn,
                                preferred_element_type=jnp.float32)
    h = jnp.maximum(h + b1_ref[...], 0.0)
    z = jnp.sum(h * w2_ref[...], axis=1)
    o_ref[...] = jax.nn.sigmoid(z + b2_ref[...])


def _mlp(uG, iG, W_cvr, b_cvr, W_cvr1, b_cvr1):
    return pl.pallas_call(
        _mlp_body,
        grid=(_BATCH // _BB,),
        in_specs=[
            pl.BlockSpec((_BB, _DIM), lambda j: (j, 0)),
            pl.BlockSpec((_BB, _DIM), lambda j: (j, 0)),
            pl.BlockSpec((_HID, 2 * _DIM), lambda j: (0, 0)),
            pl.BlockSpec((1, _HID), lambda j: (0, 0)),
            pl.BlockSpec((1, _HID), lambda j: (0, 0)),
            pl.BlockSpec((1,), lambda j: (0,)),
        ],
        out_specs=pl.BlockSpec((_BB,), lambda j: (j,)),
        out_shape=jax.ShapeDtypeStruct((_BATCH,), jnp.float32),
    )(uG, iG, W_cvr, b_cvr.reshape(1, _HID), W_cvr1, b_cvr1)


def kernel(userIdx, itemIdx, uEmbed, iEmbed, W_cvr, b_cvr, W_cvr1, b_cvr1):
    userIdx = userIdx.astype(jnp.int32)
    itemIdx = itemIdx.astype(jnp.int32)
    uG, iG = _sc_gather(uEmbed, userIdx, iEmbed, itemIdx)
    return _mlp(uG, iG, W_cvr, b_cvr, W_cvr1, b_cvr1)

# --- scband reference (transcript-rebuilt; emitter-appended) ---
"""Pipeline reference for scband-macrmf-40492951667229 (READ-ONLY COPY).

The authoritative reference and input builder live on the scoring server;
editing this copy changes nothing except your own understanding.
"""

import jax, jax.numpy as jnp
import numpy as np

USER_NUM = 100000
ITEM_NUM = 100000
DIM = 128
BATCH = 16384

def setup_inputs(seed: int = 0) -> dict:
    key = jax.random.key(seed)
    ks = jax.random.split(key, 8)
    userIdx = jax.random.randint(ks[0], (BATCH,), 0, USER_NUM, dtype=jnp.int64) if jax.config.jax_enable_x64 else jax.random.randint(ks[0], (BATCH,), 0, USER_NUM, dtype=jnp.int32)
    itemIdx = jax.random.randint(ks[1], (BATCH,), 0, ITEM_NUM, dtype=userIdx.dtype)
    uEmbed = jax.random.normal(ks[2], (USER_NUM, DIM), dtype=jnp.float32) * 0.01
    iEmbed = jax.random.normal(ks[3], (ITEM_NUM, DIM), dtype=jnp.float32) * 0.01
    # torch Linear default init: U(-1/sqrt(fan_in), 1/sqrt(fan_in))
    b1 = 1.0 / np.sqrt(2 * DIM)
    W_cvr = jax.random.uniform(ks[4], (64, 2 * DIM), minval=-b1, maxval=b1, dtype=jnp.float32)
    b_cvr = jax.random.uniform(ks[5], (64,), minval=-b1, maxval=b1, dtype=jnp.float32)
    b2 = 1.0 / np.sqrt(64)
    W_cvr1 = jax.random.uniform(ks[6], (1, 64), minval=-b2, maxval=b2, dtype=jnp.float32)
    b_cvr1 = jax.random.uniform(ks[7], (1,), minval=-b2, maxval=b2, dtype=jnp.float32)
    return {"userIdx": userIdx, "itemIdx": itemIdx, "uEmbed": uEmbed, "iEmbed": iEmbed,
            "W_cvr": W_cvr, "b_cvr": b_cvr, "W_cvr1": W_cvr1, "b_cvr1": b_cvr1}

def reference(userIdx, itemIdx, uEmbed, iEmbed, W_cvr, b_cvr, W_cvr1, b_cvr1):
    # task == 'cvr' branch of MACRMF.forward
    uembed = jnp.take(uEmbed, userIdx, axis=0)
    iembed = jnp.take(iEmbed, itemIdx, axis=0)
    cat = jnp.concatenate([uembed, iembed], axis=1)
    res = jnp.maximum(cat @ W_cvr.T + b_cvr, 0.0)
    res = jax.nn.sigmoid(res @ W_cvr1.T + b_cvr1)
    return res.reshape(-1)

if __name__ == "__main__":
    import jax
    _d = setup_inputs()
    print(jax.jit(kernel)(*tuple(_d.values())))

</pallas_src>

<mosaic_0001>
#map = affine_map<(d0, d1) -> (0, 0)>
#map1 = affine_map<(d0, d1) -> (0)>
module attributes {stable_mosaic.version = 14 : i64} {
  func.func @body(%arg0: i32, %arg1: i32, %arg2: memref<100000x128xf32, #tpu.memory_space<hbm>>, %arg3: memref<16384xi32, #tpu.memory_space<hbm>>, %arg4: memref<100000x128xf32, #tpu.memory_space<hbm>>, %arg5: memref<16384xi32, #tpu.memory_space<hbm>>, %arg6: memref<16384x128xf32, #tpu.memory_space<hbm>>, %arg7: memref<16384x128xf32, #tpu.memory_space<hbm>>, %arg8: memref<512xi32, #tpu.memory_space<vmem>>, %arg9: memref<512xi32, #tpu.memory_space<vmem>>, %arg10: memref<128x128xf32, #tpu.memory_space<vmem>>, %arg11: memref<128x128xf32, #tpu.memory_space<vmem>>, %arg12: memref<128x128xf32, #tpu.memory_space<vmem>>, %arg13: memref<128x128xf32, #tpu.memory_space<vmem>>, %arg14: memref<!tpu.dma_semaphore, #tpu.memory_space<semaphore_mem>>, %arg15: memref<!tpu.dma_semaphore, #tpu.memory_space<semaphore_mem>>, %arg16: memref<!tpu.dma_semaphore, #tpu.memory_space<semaphore_mem>>, %arg17: memref<!tpu.dma_semaphore, #tpu.memory_space<semaphore_mem>>, %arg18: memref<!tpu.dma_semaphore, #tpu.memory_space<semaphore_mem>>, %arg19: memref<!tpu.dma_semaphore, #tpu.memory_space<semaphore_mem>>, %arg20: memref<!tpu.dma_semaphore, #tpu.memory_space<semaphore_mem>>, %arg21: memref<!tpu.dma_semaphore, #tpu.memory_space<semaphore_mem>>) attributes {dimension_semantics = [#tpu.dimension_semantics<core_parallel>, #tpu.dimension_semantics<subcore_parallel>], iteration_bounds = array<i64: 2, 16>, scalar_prefetch = 0 : i64, scratch_operands = 14 : i64, tpu.core_type = #tpu.core_type<sc_vector_subcore>, window_params = [{transform_indices = #map}, {transform_indices = #map1}, {transform_indices = #map}, {transform_indices = #map1}, {transform_indices = #map}, {transform_indices = #map}]} {
    %mul3A = arith.constant 2 : i32
    %mul3A_0 = arith.muli %arg1, %mul3A : i32
    %add3A = arith.addi %mul3A_0, %arg0 : i32
    %mul3A_1 = arith.constant 512 : i32
    %mul3A_2 = arith.muli %add3A, %mul3A_1 : i32
    %dma_start3A = tpu.memref_slice %arg3[%mul3A_2] : memref<16384xi32, #tpu.memory_space<hbm>> -> memref<512xi32, #tpu.memory_space<hbm>>
    %dma_start3A_3 = tpu.memref_slice %arg3[%mul3A_2] : memref<16384xi32, #tpu.memory_space<hbm>> -> memref<512xi32, #tpu.memory_space<hbm>>
    tpu.enqueue_dma source(%dma_start3A_3 : memref<512xi32, #tpu.memory_space<hbm>>) target(%arg8 : memref<512xi32, #tpu.memory_space<vmem>>) target_semaphore(%arg14 : memref<!tpu.dma_semaphore, #tpu.memory_space<semaphore_mem>>)
    %dma_start3A_4 = tpu.memref_slice %arg5[%mul3A_2] : memref<16384xi32, #tpu.memory_space<hbm>> -> memref<512xi32, #tpu.memory_space<hbm>>
    %dma_start3A_5 = tpu.memref_slice %arg5[%mul3A_2] : memref<16384xi32, #tpu.memory_space<hbm>> -> memref<512xi32, #tpu.memory_space<hbm>>
    tpu.enqueue_dma source(%dma_start3A_5 : memref<512xi32, #tpu.memory_space<hbm>>) target(%arg9 : memref<512xi32, #tpu.memory_space<vmem>>) target_semaphore(%arg15 : memref<!tpu.dma_semaphore, #tpu.memory_space<semaphore_mem>>)
    %dma_wait3A = tpu.memref_slice %arg3[%mul3A_2] : memref<16384xi32, #tpu.memory_space<hbm>> -> memref<512xi32, #tpu.memory_space<hbm>>
    %dma_wait3A_6 = tpu.memref_slice %arg3[%mul3A_2] : memref<16384xi32, #tpu.memory_space<hbm>> -> memref<512xi32, #tpu.memory_space<hbm>>
    tpu.wait_dma2 semaphore(%arg14 : memref<!tpu.dma_semaphore, #tpu.memory_space<semaphore_mem>>) src(%dma_wait3A_6 : memref<512xi32, #tpu.memory_space<hbm>>) dst(%arg8 : memref<512xi32, #tpu.memory_space<vmem>>)
    %dma_wait3A_7 = tpu.memref_slice %arg5[%mul3A_2] : memref<16384xi32, #tpu.memory_space<hbm>> -> memref<512xi32, #tpu.memory_space<hbm>>
    %dma_wait3A_8 = tpu.memref_slice %arg5[%mul3A_2] : memref<16384xi32, #tpu.memory_space<hbm>> -> memref<512xi32, #tpu.memory_space<hbm>>
    tpu.wait_dma2 semaphore(%arg15 : memref<!tpu.dma_semaphore, #tpu.memory_space<semaphore_mem>>) src(%dma_wait3A_8 : memref<512xi32, #tpu.memory_space<hbm>>) dst(%arg9 : memref<512xi32, #tpu.memory_space<vmem>>)
    %dma_start3A_9 = arith.constant 0 : i32
    %dma_start3A_10 = tpu.memref_slice %arg8[%dma_start3A_9] : memref<512xi32, #tpu.memory_space<vmem>> -> memref<128xi32, #tpu.memory_space<vmem>>
    %dma_start3A_11 = arith.constant 0 : i32
    %dma_start3A_12 = arith.constant 0 : i32
    %dma_start3A_13 = tpu.memref_slice %arg2[%dma_start3A_11, %dma_start3A_12] : memref<100000x128xf32, #tpu.memory_space<hbm>> -> memref<100000x128xf32, #tpu.memory_space<hbm>>
    tpu.enqueue_indirect_dma source(%dma_start3A_13 : memref<100000x128xf32, #tpu.memory_space<hbm>>) target(%arg10 : memref<128x128xf32, #tpu.memory_space<vmem>>) offsets(%dma_start3A_10 : memref<128xi32, #tpu.memory_space<vmem>>) semaphore(%arg14 : memref<!tpu.dma_semaphore, #tpu.memory_space<semaphore_mem>>)
    %dma_start3A_14 = arith.constant 0 : i32
    %dma_start3A_15 = tpu.memref_slice %arg9[%dma_start3A_14] : memref<512xi32, #tpu.memory_space<vmem>> -> memref<128xi32, #tpu.memory_space<vmem>>
    %dma_start3A_16 = arith.constant 0 : i32
    %dma_start3A_17 = arith.constant 0 : i32
    %dma_start3A_18 = tpu.memref_slice %arg4[%dma_start3A_16, %dma_start3A_17] : memref<100000x128xf32, #tpu.memory_space<hbm>> -> memref<100000x128xf32, #tpu.memory_space<hbm>>
    tpu.enqueue_indirect_dma source(%dma_start3A_18 : memref<100000x128xf32, #tpu.memory_space<hbm>>) target(%arg11 : memref<128x128xf32, #tpu.memory_space<vmem>>) offsets(%dma_start3A_15 : memref<128xi32, #tpu.memory_space<vmem>>) semaphore(%arg15 : memref<!tpu.dma_semaphore, #tpu.memory_space<semaphore_mem>>)
    %dma_start3A_19 = arith.constant 128 : i32
    %dma_start3A_20 = tpu.memref_slice %arg8[%dma_start3A_19] : memref<512xi32, #tpu.memory_space<vmem>> -> memref<128xi32, #tpu.memory_space<vmem>>
    %dma_start3A_21 = arith.constant 0 : i32
    %dma_start3A_22 = arith.constant 0 : i32
    %dma_start3A_23 = tpu.memref_slice %arg2[%dma_start3A_21, %dma_start3A_22] : memref<100000x128xf32, #tpu.memory_space<hbm>> -> memref<100000x128xf32, #tpu.memory_space<hbm>>
    tpu.enqueue_indirect_dma source(%dma_start3A_23 : memref<100000x128xf32, #tpu.memory_space<hbm>>) target(%arg12 : memref<128x128xf32, #tpu.memory_space<vmem>>) offsets(%dma_start3A_20 : memref<128xi32, #tpu.memory_space<vmem>>) semaphore(%arg16 : memref<!tpu.dma_semaphore, #tpu.memory_space<semaphore_mem>>)
    %dma_wait3A_24 = arith.constant 0 : i32
    %dma_wait3A_25 = tpu.memref_slice %arg8[%dma_wait3A_24] : memref<512xi32, #tpu.memory_space<vmem>> -> memref<128xi32, #tpu.memory_space<vmem>>
    %dma_wait3A_26 = arith.constant 0 : i32
    %dma_wait3A_27 = arith.constant 0 : i32
    %dma_wait3A_28 = tpu.memref_slice %arg2[%dma_wait3A_26, %dma_wait3A_27] : memref<100000x128xf32, #tpu.memory_space<hbm>> -> memref<100000x128xf32, #tpu.memory_space<hbm>>
    tpu.wait_indirect_dma semaphore(%arg14 : memref<!tpu.dma_semaphore, #tpu.memory_space<semaphore_mem>>) src(%dma_wait3A_28 : memref<100000x128xf32, #tpu.memory_space<hbm>>) dst(%arg10 : memref<128x128xf32, #tpu.memory_space<vmem>>)
    %add3A_29 = arith.constant 0 : i32
    %add3A_30 = arith.addi %mul3A_2, %add3A_29 : i32
    %dma_start3A_31 = arith.constant 0 : i32
    %dma_start3A_32 = tpu.memref_slice %arg6[%add3A_30, %dma_start3A_31] : memref<16384x128xf32, #tpu.memory_space<hbm>> -> memref<128x128xf32, #tpu.memory_space<hbm>>
    %dma_start3A_33 = arith.constant 0 : i32
    %dma_start3A_34 = tpu.memref_slice %arg6[%add3A_30, %dma_start3A_33] : memref<16384x128xf32, #tpu.memory_space<hbm>> -> memref<128x128xf32, #tpu.memory_space<hbm>>
    tpu.enqueue_dma source(%arg10 : memref<128x128xf32, #tpu.memory_space<vmem>>) target(%dma_start3A_34 : memref<128x128xf32, #tpu.memory_space<hbm>>) target_semaphore(%arg18 : memref<!tpu.dma_semaphore, #tpu.memory_space<semaphore_mem>>)
    %dma_start3A_35 = arith.constant 128 : i32
    %dma_start3A_36 = tpu.memref_slice %arg9[%dma_start3A_35] : memref<512xi32, #tpu.memory_space<vmem>> -> memref<128xi32, #tpu.memory_space<vmem>>
    %dma_start3A_37 = arith.constant 0 : i32
    %dma_start3A_38 = arith.constant 0 : i32
    %dma_start3A_39 = tpu.memref_slice %arg4[%dma_start3A_37, %dma_start3A_38] : memref<100000x128xf32, #tpu.memory_space<hbm>> -> memref<100000x128xf32, #tpu.memory_space<hbm>>
    tpu.enqueue_indirect_dma source(%dma_start3A_39 : memref<100000x128xf32, #tpu.memory_space<hbm>>) target(%arg13 : memref<128x128xf32, #tpu.memory_space<vmem>>) offsets(%dma_start3A_36 : memref<128xi32, #tpu.memory_space<vmem>>) semaphore(%arg17 : memref<!tpu.dma_semaphore, #tpu.memory_space<semaphore_mem>>)
    %dma_wait3A_40 = arith.constant 0 : i32
    %dma_wait3A_41 = tpu.memref_slice %arg9[%dma_wait3A_40] : memref<512xi32, #tpu.memory_space<vmem>> -> memref<128xi32, #tpu.memory_space<vmem>>
    %dma_wait3A_42 = arith.constant 0 : i32
    %dma_wait3A_43 = arith.constant 0 : i32
    %dma_wait3A_44 = tpu.memref_slice %arg4[%dma_wait3A_42, %dma_wait3A_43] : memref<100000x128xf32, #tpu.memory_space<hbm>> -> memref<100000x128xf32, #tpu.memory_space<hbm>>
    tpu.wait_indirect_dma semaphore(%arg15 : memref<!tpu.dma_semaphore, #tpu.memory_space<semaphore_mem>>) src(%dma_wait3A_44 : memref<100000x128xf32, #tpu.memory_space<hbm>>) dst(%arg11 : memref<128x128xf32, #tpu.memory_space<vmem>>)
    %add3A_45 = arith.constant 0 : i32
    %add3A_46 = arith.addi %mul3A_2, %add3A_45 : i32
    %dma_start3A_47 = arith.constant 0 : i32
    %dma_start3A_48 = tpu.memref_slice %arg7[%add3A_46, %dma_start3A_47] : memref<16384x128xf32, #tpu.memory_space<hbm>> -> memref<128x128xf32, #tpu.memory_space<hbm>>
    %dma_start3A_49 = arith.constant 0 : i32
    %dma_start3A_50 = tpu.memref_slice %arg7[%add3A_46, %dma_start3A_49] : memref<16384x128xf32, #tpu.memory_space<hbm>> -> memref<128x128xf32, #tpu.memory_space<hbm>>
    tpu.enqueue_dma source(%arg11 : memref<128x128xf32, #tpu.memory_space<vmem>>) target(%dma_start3A_50 : memref<128x128xf32, #tpu.memory_space<hbm>>) target_semaphore(%arg19 : memref<!tpu.dma_semaphore, #tpu.memory_space<semaphore_mem>>)
    %dma_wait3A_51 = arith.constant 0 : i32
    %dma_wait3A_52 = tpu.memref_slice %arg6[%add3A_30, %dma_wait3A_51] : memref<16384x128xf32, #tpu.memory_space<hbm>> -> memref<128x128xf32, #tpu.memory_space<hbm>>
    %dma_wait3A_53 = arith.constant 0 : i32
    %dma_wait3A_54 = tpu.memref_slice %arg6[%add3A_30, %dma_wait3A_53] : memref<16384x128xf32, #tpu.memory_space<hbm>> -> memref<128x128xf32, #tpu.memory_space<hbm>>
    tpu.wait_dma2 semaphore(%arg18 : memref<!tpu.dma_semaphore, #tpu.memory_space<semaphore_mem>>) src(%arg10 : memref<128x128xf32, #tpu.memory_space<vmem>>) dst(%dma_wait3A_54 : memref<128x128xf32, #tpu.memory_space<hbm>>)
    %dma_start3A_55 = arith.constant 256 : i32
    %dma_start3A_56 = tpu.memref_slice %arg8[%dma_start3A_55] : memref<512xi32, #tpu.memory_space<vmem>> -> memref<128xi32, #tpu.memory_space<vmem>>
    %dma_start3A_57 = arith.constant 0 : i32
    %dma_start3A_58 = arith.constant 0 : i32
    %dma_start3A_59 = tpu.memref_slice %arg2[%dma_start3A_57, %dma_start3A_58] : memref<100000x128xf32, #tpu.memory_space<hbm>> -> memref<100000x128xf32, #tpu.memory_space<hbm>>
    tpu.enqueue_indirect_dma source(%dma_start3A_59 : memref<100000x128xf32, #tpu.memory_space<hbm>>) target(%arg10 : memref<128x128xf32, #tpu.memory_space<vmem>>) offsets(%dma_start3A_56 : memref<128xi32, #tpu.memory_space<vmem>>) semaphore(%arg14 : memref<!tpu.dma_semaphore, #tpu.memory_space<semaphore_mem>>)
    %dma_wait3A_60 = arith.constant 128 : i32
    %dma_wait3A_61 = tpu.memref_slice %arg8[%dma_wait3A_60] : memref<512xi32, #tpu.memory_space<vmem>> -> memref<128xi32, #tpu.memory_space<vmem>>
    %dma_wait3A_62 = arith.constant 0 : i32
    %dma_wait3A_63 = arith.constant 0 : i32
    %dma_wait3A_64 = tpu.memref_slice %arg2[%dma_wait3A_62, %dma_wait3A_63] : memref<100000x128xf32, #tpu.memory_space<hbm>> -> memref<100000x128xf32, #tpu.memory_space<hbm>>
    tpu.wait_indirect_dma semaphore(%arg16 : memref<!tpu.dma_semaphore, #tpu.memory_space<semaphore_mem>>) src(%dma_wait3A_64 : memref<100000x128xf32, #tpu.memory_space<hbm>>) dst(%arg12 : memref<128x128xf32, #tpu.memory_space<vmem>>)
    %add3A_65 = arith.constant 128 : i32
    %add3A_66 = arith.addi %mul3A_2, %add3A_65 : i32
    %dma_start3A_67 = arith.constant 0 : i32
    %dma_start3A_68 = tpu.memref_slice %arg6[%add3A_66, %dma_start3A_67] : memref<16384x128xf32, #tpu.memory_space<hbm>> -> memref<128x128xf32, #tpu.memory_space<hbm>>
    %dma_start3A_69 = arith.constant 0 : i32
    %dma_start3A_70 = tpu.memref_slice %arg6[%add3A_66, %dma_start3A_69] : memref<16384x128xf32, #tpu.memory_space<hbm>> -> memref<128x128xf32, #tpu.memory_space<hbm>>
    tpu.enqueue_dma source(%arg12 : memref<128x128xf32, #tpu.memory_space<vmem>>) target(%dma_start3A_70 : memref<128x128xf32, #tpu.memory_space<hbm>>) target_semaphore(%arg20 : memref<!tpu.dma_semaphore, #tpu.memory_space<semaphore_mem>>)
    %dma_wait3A_71 = arith.constant 0 : i32
    %dma_wait3A_72 = tpu.memref_slice %arg7[%add3A_46, %dma_wait3A_71] : memref<16384x128xf32, #tpu.memory_space<hbm>> -> memref<128x128xf32, #tpu.memory_space<hbm>>
    %dma_wait3A_73 = arith.constant 0 : i32
    %dma_wait3A_74 = tpu.memref_slice %arg7[%add3A_46, %dma_wait3A_73] : memref<16384x128xf32, #tpu.memory_space<hbm>> -> memref<128x128xf32, #tpu.memory_space<hbm>>
    tpu.wait_dma2 semaphore(%arg19 : memref<!tpu.dma_semaphore, #tpu.memory_space<semaphore_mem>>) src(%arg11 : memref<128x128xf32, #tpu.memory_space<vmem>>) dst(%dma_wait3A_74 : memref<128x128xf32, #tpu.memory_space<hbm>>)
    %dma_start3A_75 = arith.constant 256 : i32
    %dma_start3A_76 = tpu.memref_slice %arg9[%dma_start3A_75] : memref<512xi32, #tpu.memory_space<vmem>> -> memref<128xi32, #tpu.memory_space<vmem>>
    %dma_start3A_77 = arith.constant 0 : i32
    %dma_start3A_78 = arith.constant 0 : i32
    %dma_start3A_79 = tpu.memref_slice %arg4[%dma_start3A_77, %dma_start3A_78] : memref<100000x128xf32, #tpu.memory_space<hbm>> -> memref<100000x128xf32, #tpu.memory_space<hbm>>
    tpu.enqueue_indirect_dma source(%dma_start3A_79 : memref<100000x128xf32, #tpu.memory_space<hbm>>) target(%arg11 : memref<128x128xf32, #tpu.memory_space<vmem>>) offsets(%dma_start3A_76 : memref<128xi32, #tpu.memory_space<vmem>>) semaphore(%arg15 : memref<!tpu.dma_semaphore, #tpu.memory_space<semaphore_mem>>)
    %dma_wait3A_80 = arith.constant 128 : i32
    %dma_wait3A_81 = tpu.memref_slice %arg9[%dma_wait3A_80] : memref<512xi32, #tpu.memory_space<vmem>> -> memref<128xi32, #tpu.memory_space<vmem>>
    %dma_wait3A_82 = arith.constant 0 : i32
    %dma_wait3A_83 = arith.constant 0 : i32
    %dma_wait3A_84 = tpu.memref_slice %arg4[%dma_wait3A_82, %dma_wait3A_83] : memref<100000x128xf32, #tpu.memory_space<hbm>> -> memref<100000x128xf32, #tpu.memory_space<hbm>>
    tpu.wait_indirect_dma semaphore(%arg17 : memref<!tpu.dma_semaphore, #tpu.memory_space<semaphore_mem>>) src(%dma_wait3A_84 : memref<100000x128xf32, #tpu.memory_space<hbm>>) dst(%arg13 : memref<128x128xf32, #tpu.memory_space<vmem>>)
    %add3A_85 = arith.constant 128 : i32
    %add3A_86 = arith.addi %mul3A_2, %add3A_85 : i32
    %dma_start3A_87 = arith.constant 0 : i32
    %dma_start3A_88 = tpu.memref_slice %arg7[%add3A_86, %dma_start3A_87] : memref<16384x128xf32, #tpu.memory_space<hbm>> -> memref<128x128xf32, #tpu.memory_space<hbm>>
    %dma_start3A_89 = arith.constant 0 : i32
    %dma_start3A_90 = tpu.memref_slice %arg7[%add3A_86, %dma_start3A_89] : memref<16384x128xf32, #tpu.memory_space<hbm>> -> memref<128x128xf32, #tpu.memory_space<hbm>>
    tpu.enqueue_dma source(%arg13 : memref<128x128xf32, #tpu.memory_space<vmem>>) target(%dma_start3A_90 : memref<128x128xf32, #tpu.memory_space<hbm>>) target_semaphore(%arg21 : memref<!tpu.dma_semaphore, #tpu.memory_space<semaphore_mem>>)
    %dma_wait3A_91 = arith.constant 0 : i32
    %dma_wait3A_92 = tpu.memref_slice %arg6[%add3A_66, %dma_wait3A_91] : memref<16384x128xf32, #tpu.memory_space<hbm>> -> memref<128x128xf32, #tpu.memory_space<hbm>>
    %dma_wait3A_93 = arith.constant 0 : i32
    %dma_wait3A_94 = tpu.memref_slice %arg6[%add3A_66, %dma_wait3A_93] : memref<16384x128xf32, #tpu.memory_space<hbm>> -> memref<128x128xf32, #tpu.memory_space<hbm>>
    tpu.wait_dma2 semaphore(%arg20 : memref<!tpu.dma_semaphore, #tpu.memory_space<semaphore_mem>>) src(%arg12 : memref<128x128xf32, #tpu.memory_space<vmem>>) dst(%dma_wait3A_94 : memref<128x128xf32, #tpu.memory_space<hbm>>)
    %dma_start3A_95 = arith.constant 384 : i32
    %dma_start3A_96 = tpu.memref_slice %arg8[%dma_start3A_95] : memref<512xi32, #tpu.memory_space<vmem>> -> memref<128xi32, #tpu.memory_space<vmem>>
    %dma_start3A_97 = arith.constant 0 : i32
    %dma_start3A_98 = arith.constant 0 : i32
    %dma_start3A_99 = tpu.memref_slice %arg2[%dma_start3A_97, %dma_start3A_98] : memref<100000x128xf32, #tpu.memory_space<hbm>> -> memref<100000x128xf32, #tpu.memory_space<hbm>>
    tpu.enqueue_indirect_dma source(%dma_start3A_99 : memref<100000x128xf32, #tpu.memory_space<hbm>>) target(%arg12 : memref<128x128xf32, #tpu.memory_space<vmem>>) offsets(%dma_start3A_96 : memref<128xi32, #tpu.memory_space<vmem>>) semaphore(%arg16 : memref<!tpu.dma_semaphore, #tpu.memory_space<semaphore_mem>>)
    %dma_wait3A_100 = arith.constant 256 : i32
    %dma_wait3A_101 = tpu.memref_slice %arg8[%dma_wait3A_100] : memref<512xi32, #tpu.memory_space<vmem>> -> memref<128xi32, #tpu.memory_space<vmem>>
    %dma_wait3A_102 = arith.constant 0 : i32
    %dma_wait3A_103 = arith.constant 0 : i32
    %dma_wait3A_104 = tpu.memref_slice %arg2[%dma_wait3A_102, %dma_wait3A_103] : memref<100000x128xf32, #tpu.memory_space<hbm>> -> memref<100000x128xf32, #tpu.memory_space<hbm>>
    tpu.wait_indirect_dma semaphore(%arg14 : memref<!tpu.dma_semaphore, #tpu.memory_space<semaphore_mem>>) src(%dma_wait3A_104 : memref<100000x128xf32, #tpu.memory_space<hbm>>) dst(%arg10 : memref<128x128xf32, #tpu.memory_space<vmem>>)
    %add3A_105 = arith.constant 256 : i32
    %add3A_106 = arith.addi %mul3A_2, %add3A_105 : i32
    %dma_start3A_107 = arith.constant 0 : i32
    %dma_start3A_108 = tpu.memref_slice %arg6[%add3A_106, %dma_start3A_107] : memref<16384x128xf32, #tpu.memory_space<hbm>> -> memref<128x128xf32, #tpu.memory_space<hbm>>
    %dma_start3A_109 = arith.constant 0 : i32
    %dma_start3A_110 = tpu.memref_slice %arg6[%add3A_106, %dma_start3A_109] : memref<16384x128xf32, #tpu.memory_space<hbm>> -> memref<128x128xf32, #tpu.memory_space<hbm>>
    tpu.enqueue_dma source(%arg10 : memref<128x128xf32, #tpu.memory_space<vmem>>) target(%dma_start3A_110 : memref<128x128xf32, #tpu.memory_space<hbm>>) target_semaphore(%arg18 : memref<!tpu.dma_semaphore, #tpu.memory_space<semaphore_mem>>)
    %dma_wait3A_111 = arith.constant 0 : i32
    %dma_wait3A_112 = tpu.memref_slice %arg7[%add3A_86, %dma_wait3A_111] : memref<16384x128xf32, #tpu.memory_space<hbm>> -> memref<128x128xf32, #tpu.memory_space<hbm>>
    %dma_wait3A_113 = arith.constant 0 : i32
    %dma_wait3A_114 = tpu.memref_slice %arg7[%add3A_86, %dma_wait3A_113] : memref<16384x128xf32, #tpu.memory_space<hbm>> -> memref<128x128xf32, #tpu.memory_space<hbm>>
    tpu.wait_dma2 semaphore(%arg21 : memref<!tpu.dma_semaphore, #tpu.memory_space<semaphore_mem>>) src(%arg13 : memref<128x128xf32, #tpu.memory_space<vmem>>) dst(%dma_wait3A_114 : memref<128x128xf32, #tpu.memory_space<hbm>>)
    %dma_start3A_115 = arith.constant 384 : i32
    %dma_start3A_116 = tpu.memref_slice %arg9[%dma_start3A_115] : memref<512xi32, #tpu.memory_space<vmem>> -> memref<128xi32, #tpu.memory_space<vmem>>
    %dma_start3A_117 = arith.constant 0 : i32
    %dma_start3A_118 = arith.constant 0 : i32
    %dma_start3A_119 = tpu.memref_slice %arg4[%dma_start3A_117, %dma_start3A_118] : memref<100000x128xf32, #tpu.memory_space<hbm>> -> memref<100000x128xf32, #tpu.memory_space<hbm>>
    tpu.enqueue_indirect_dma source(%dma_start3A_119 : memref<100000x128xf32, #tpu.memory_space<hbm>>) target(%arg13 : memref<128x128xf32, #tpu.memory_space<vmem>>) offsets(%dma_start3A_116 : memref<128xi32, #tpu.memory_space<vmem>>) semaphore(%arg17 : memref<!tpu.dma_semaphore, #tpu.memory_space<semaphore_mem>>)
    %dma_wait3A_120 = arith.constant 256 : i32
    %dma_wait3A_121 = tpu.memref_slice %arg9[%dma_wait3A_120] : memref<512xi32, #tpu.memory_space<vmem>> -> memref<128xi32, #tpu.memory_space<vmem>>
    %dma_wait3A_122 = arith.constant 0 : i32
    %dma_wait3A_123 = arith.constant 0 : i32
    %dma_wait3A_124 = tpu.memref_slice %arg4[%dma_wait3A_122, %dma_wait3A_123] : memref<100000x128xf32, #tpu.memory_space<hbm>> -> memref<100000x128xf32, #tpu.memory_space<hbm>>
    tpu.wait_indirect_dma semaphore(%arg15 : memref<!tpu.dma_semaphore, #tpu.memory_space<semaphore_mem>>) src(%dma_wait3A_124 : memref<100000x128xf32, #tpu.memory_space<hbm>>) dst(%arg11 : memref<128x128xf32, #tpu.memory_space<vmem>>)
    %add3A_125 = arith.constant 256 : i32
    %add3A_126 = arith.addi %mul3A_2, %add3A_125 : i32
    %dma_start3A_127 = arith.constant 0 : i32
    %dma_start3A_128 = tpu.memref_slice %arg7[%add3A_126, %dma_start3A_127] : memref<16384x128xf32, #tpu.memory_space<hbm>> -> memref<128x128xf32, #tpu.memory_space<hbm>>
    %dma_start3A_129 = arith.constant 0 : i32
    %dma_start3A_130 = tpu.memref_slice %arg7[%add3A_126, %dma_start3A_129] : memref<16384x128xf32, #tpu.memory_space<hbm>> -> memref<128x128xf32, #tpu.memory_space<hbm>>
    tpu.enqueue_dma source(%arg11 : memref<128x128xf32, #tpu.memory_space<vmem>>) target(%dma_start3A_130 : memref<128x128xf32, #tpu.memory_space<hbm>>) target_semaphore(%arg19 : memref<!tpu.dma_semaphore, #tpu.memory_space<semaphore_mem>>)
    %dma_wait3A_131 = arith.constant 384 : i32
    %dma_wait3A_132 = tpu.memref_slice %arg8[%dma_wait3A_131] : memref<512xi32, #tpu.memory_space<vmem>> -> memref<128xi32, #tpu.memory_space<vmem>>
    %dma_wait3A_133 = arith.constant 0 : i32
    %dma_wait3A_134 = arith.constant 0 : i32
    %dma_wait3A_135 = tpu.memref_slice %arg2[%dma_wait3A_133, %dma_wait3A_134] : memref<100000x128xf32, #tpu.memory_space<hbm>> -> memref<100000x128xf32, #tpu.memory_space<hbm>>
    tpu.wait_indirect_dma semaphore(%arg16 : memref<!tpu.dma_semaphore, #tpu.memory_space<semaphore_mem>>) src(%dma_wait3A_135 : memref<100000x128xf32, #tpu.memory_space<hbm>>) dst(%arg12 : memref<128x128xf32, #tpu.memory_space<vmem>>)
    %add3A_136 = arith.constant 384 : i32
    %add3A_137 = arith.addi %mul3A_2, %add3A_136 : i32
    %dma_start3A_138 = arith.constant 0 : i32
    %dma_start3A_139 = tpu.memref_slice %arg6[%add3A_137, %dma_start3A_138] : memref<16384x128xf32, #tpu.memory_space<hbm>> -> memref<128x128xf32, #tpu.memory_space<hbm>>
    %dma_start3A_140 = arith.constant 0 : i32
    %dma_start3A_141 = tpu.memref_slice %arg6[%add3A_137, %dma_start3A_140] : memref<16384x128xf32, #tpu.memory_space<hbm>> -> memref<128x128xf32, #tpu.memory_space<hbm>>
    tpu.enqueue_dma source(%arg12 : memref<128x128xf32, #tpu.memory_space<vmem>>) target(%dma_start3A_141 : memref<128x128xf32, #tpu.memory_space<hbm>>) target_semaphore(%arg20 : memref<!tpu.dma_semaphore, #tpu.memory_space<semaphore_mem>>)
    %dma_wait3A_142 = arith.constant 384 : i32
    %dma_wait3A_143 = tpu.memref_slice %arg9[%dma_wait3A_142] : memref<512xi32, #tpu.memory_space<vmem>> -> memref<128xi32, #tpu.memory_space<vmem>>
    %dma_wait3A_144 = arith.constant 0 : i32
    %dma_wait3A_145 = arith.constant 0 : i32
    %dma_wait3A_146 = tpu.memref_slice %arg4[%dma_wait3A_144, %dma_wait3A_145] : memref<100000x128xf32, #tpu.memory_space<hbm>> -> memref<100000x128xf32, #tpu.memory_space<hbm>>
    tpu.wait_indirect_dma semaphore(%arg17 : memref<!tpu.dma_semaphore, #tpu.memory_space<semaphore_mem>>) src(%dma_wait3A_146 : memref<100000x128xf32, #tpu.memory_space<hbm>>) dst(%arg13 : memref<128x128xf32, #tpu.memory_space<vmem>>)
    %add3A_147 = arith.constant 384 : i32
    %add3A_148 = arith.addi %mul3A_2, %add3A_147 : i32
    %dma_start3A_149 = arith.constant 0 : i32
    %dma_start3A_150 = tpu.memref_slice %arg7[%add3A_148, %dma_start3A_149] : memref<16384x128xf32, #tpu.memory_space<hbm>> -> memref<128x128xf32, #tpu.memory_space<hbm>>
    %dma_start3A_151 = arith.constant 0 : i32
    %dma_start3A_152 = tpu.memref_slice %arg7[%add3A_148, %dma_start3A_151] : memref<16384x128xf32, #tpu.memory_space<hbm>> -> memref<128x128xf32, #tpu.memory_space<hbm>>
    tpu.enqueue_dma source(%arg13 : memref<128x128xf32, #tpu.memory_space<vmem>>) target(%dma_start3A_152 : memref<128x128xf32, #tpu.memory_space<hbm>>) target_semaphore(%arg21 : memref<!tpu.dma_semaphore, #tpu.memory_space<semaphore_mem>>)
    %dma_wait3A_153 = arith.constant 0 : i32
    %dma_wait3A_154 = tpu.memref_slice %arg6[%add3A_106, %dma_wait3A_153] : memref<16384x128xf32, #tpu.memory_space<hbm>> -> memref<128x128xf32, #tpu.memory_space<hbm>>
    %dma_wait3A_155 = arith.constant 0 : i32
    %dma_wait3A_156 = tpu.memref_slice %arg6[%add3A_106, %dma_wait3A_155] : memref<16384x128xf32, #tpu.memory_space<hbm>> -> memref<128x128xf32, #tpu.memory_space<hbm>>
    tpu.wait_dma2 semaphore(%arg18 : memref<!tpu.dma_semaphore, #tpu.memory_space<semaphore_mem>>) src(%arg10 : memref<128x128xf32, #tpu.memory_space<vmem>>) dst(%dma_wait3A_156 : memref<128x128xf32, #tpu.memory_space<hbm>>)
    %dma_wait3A_157 = arith.constant 0 : i32
    %dma_wait3A_158 = tpu.memref_slice %arg7[%add3A_126, %dma_wait3A_157] : memref<16384x128xf32, #tpu.memory_space<hbm>> -> memref<128x128xf32, #tpu.memory_space<hbm>>
    %dma_wait3A_159 = arith.constant 0 : i32
    %dma_wait3A_160 = tpu.memref_slice %arg7[%add3A_126, %dma_wait3A_159] : memref<16384x128xf32, #tpu.memory_space<hbm>> -> memref<128x128xf32, #tpu.memory_space<hbm>>
    tpu.wait_dma2 semaphore(%arg19 : memref<!tpu.dma_semaphore, #tpu.memory_space<semaphore_mem>>) src(%arg11 : memref<128x128xf32, #tpu.memory_space<vmem>>) dst(%dma_wait3A_160 : memref<128x128xf32, #tpu.memory_space<hbm>>)
    %dma_wait3A_161 = arith.constant 0 : i32
    %dma_wait3A_162 = tpu.memref_slice %arg6[%add3A_137, %dma_wait3A_161] : memref<16384x128xf32, #tpu.memory_space<hbm>> -> memref<128x128xf32, #tpu.memory_space<hbm>>
    %dma_wait3A_163 = arith.constant 0 : i32
    %dma_wait3A_164 = tpu.memref_slice %arg6[%add3A_137, %dma_wait3A_163] : memref<16384x128xf32, #tpu.memory_space<hbm>> -> memref<128x128xf32, #tpu.memory_space<hbm>>
    tpu.wait_dma2 semaphore(%arg20 : memref<!tpu.dma_semaphore, #tpu.memory_space<semaphore_mem>>) src(%arg12 : memref<128x128xf32, #tpu.memory_space<vmem>>) dst(%dma_wait3A_164 : memref<128x128xf32, #tpu.memory_space<hbm>>)
    %dma_wait3A_165 = arith.constant 0 : i32
    %dma_wait3A_166 = tpu.memref_slice %arg7[%add3A_148, %dma_wait3A_165] : memref<16384x128xf32, #tpu.memory_space<hbm>> -> memref<128x128xf32, #tpu.memory_space<hbm>>
    %dma_wait3A_167 = arith.constant 0 : i32
    %dma_wait3A_168 = tpu.memref_slice %arg7[%add3A_148, %dma_wait3A_167] : memref<16384x128xf32, #tpu.memory_space<hbm>> -> memref<128x128xf32, #tpu.memory_space<hbm>>
    tpu.wait_dma2 semaphore(%arg21 : memref<!tpu.dma_semaphore, #tpu.memory_space<semaphore_mem>>) src(%arg13 : memref<128x128xf32, #tpu.memory_space<vmem>>) dst(%dma_wait3A_168 : memref<128x128xf32, #tpu.memory_space<hbm>>)
    return
  }
}

module attributes {stable_mosaic.version = 14 : i64} {
  func.func @_mlp_body(%arg0: i32, %arg1: memref<8192x128xf32, #tpu.memory_space<vmem>>, %arg2: memref<8192x128xf32, #tpu.memory_space<vmem>>, %arg3: memref<64x256xf32, #tpu.memory_space<vmem>>, %arg4: memref<1x64xf32, #tpu.memory_space<vmem>>, %arg5: memref<1x64xf32, #tpu.memory_space<vmem>>, %arg6: memref<1xf32, #tpu.memory_space<vmem>>, %arg7: memref<8192xf32, #tpu.memory_space<vmem>>) attributes {dimension_semantics = [#tpu.dimension_semantics<arbitrary>], iteration_bounds = array<i64: 2>, scalar_prefetch = 0 : i64, scratch_operands = 0 : i64, tpu.core_type = #tpu.core_type<tc>, window_params = [{transform_indices = @transform_0, window_bounds = array<i64: 8192, 128>}, {transform_indices = @transform_1, window_bounds = array<i64: 8192, 128>}, {pipeline_mode = #tpu.pipeline_mode<synchronous>, transform_indices = @transform_2, window_bounds = array<i64: 64, 256>}, {pipeline_mode = #tpu.pipeline_mode<synchronous>, transform_indices = @transform_3, window_bounds = array<i64: 1, 64>}, {pipeline_mode = #tpu.pipeline_mode<synchronous>, transform_indices = @transform_4, window_bounds = array<i64: 1, 64>}, {pipeline_mode = #tpu.pipeline_mode<synchronous>, transform_indices = @transform_5, window_bounds = array<i64: 1>}, {transform_indices = @transform_6, window_bounds = array<i64: 8192>}]} {
    %get3A = arith.constant 0 : index
    %get3A_0 = arith.constant 0 : index
    %get3A_1 = vector.load %arg1[%get3A, %get3A_0] : memref<8192x128xf32, #tpu.memory_space<vmem>>, vector<8192x128xf32>
    %convert_element_type3A = arith.truncf %get3A_1 : vector<8192x128xf32> to vector<8192x128xbf16>
    %get3A_2 = arith.constant 0 : index
    %get3A_3 = arith.constant 0 : index
    %get3A_4 = vector.load %arg2[%get3A_2, %get3A_3] : memref<8192x128xf32, #tpu.memory_space<vmem>>, vector<8192x128xf32>
    %convert_element_type3A_5 = arith.truncf %get3A_4 : vector<8192x128xf32> to vector<8192x128xbf16>
    %get3A_6 = arith.constant 0 : index
    %get3A_7 = arith.constant 0 : index
    %get3A_8 = vector.load %arg3[%get3A_6, %get3A_7] : memref<64x256xf32, #tpu.memory_space<vmem>>, vector<64x256xf32>
    %convert_element_type3A_9 = arith.truncf %get3A_8 : vector<64x256xf32> to vector<64x256xbf16>
    %slice3A = vector.extract_strided_slice %convert_element_type3A_9 {offsets = [0, 0], sizes = [64, 128], strides = [1, 1]} : vector<64x256xbf16> to vector<64x128xbf16>
    %dot_general3A = arith.constant dense<0.000000e+00> : vector<8192x64xf32>
    %dot_general3A_10 = tpu.matmul %convert_element_type3A, %slice3A, %dot_general3A {dimension_numbers = #tpu.dot_dimension_numbers<[1], [1], [0], [0], [0, 0, 1, 0], [], []>, transpose_lhs_hint = false} : vector<8192x128xbf16>, vector<64x128xbf16>, vector<8192x64xf32> -> vector<8192x64xf32>
    %slice3A_11 = vector.extract_strided_slice %convert_element_type3A_9 {offsets = [0, 128], sizes = [64, 128], strides = [1, 1]} : vector<64x256xbf16> to vector<64x128xbf16>
    %dot_general3A_12 = arith.constant dense<0.000000e+00> : vector<8192x64xf32>
    %dot_general3A_13 = tpu.matmul %convert_element_type3A_5, %slice3A_11, %dot_general3A_12 {dimension_numbers = #tpu.dot_dimension_numbers<[1], [1], [0], [0], [0, 0, 1, 0], [], []>, transpose_lhs_hint = false} : vector<8192x128xbf16>, vector<64x128xbf16>, vector<8192x64xf32> -> vector<8192x64xf32>
    %add3A = arith.addf %dot_general3A_10, %dot_general3A_13 : vector<8192x64xf32>
    %get3A_14 = arith.constant 0 : index
    %get3A_15 = arith.constant 0 : index
    %get3A_16 = vector.load %arg4[%get3A_14, %get3A_15] : memref<1x64xf32, #tpu.memory_space<vmem>>, vector<1x64xf32>
    %add3A_17 = vector.broadcast %get3A_16 : vector<1x64xf32> to vector<8192x64xf32>
    %add3A_18 = arith.addf %add3A, %add3A_17 : vector<8192x64xf32>
    %max3A = arith.constant 0.000000e+00 : f32
    %max3A_19 = vector.broadcast %max3A : f32 to vector<8192x64xf32>
    %max3A_20 = arith.maximumf %add3A_18, %max3A_19 : vector<8192x64xf32>
    %get3A_21 = arith.constant 0 : index
    %get3A_22 = arith.constant 0 : index
    %get3A_23 = vector.load %arg5[%get3A_21, %get3A_22] : memref<1x64xf32, #tpu.memory_space<vmem>>, vector<1x64xf32>
    %mul3A = vector.broadcast %get3A_23 : vector<1x64xf32> to vector<8192x64xf32>
    %mul3A_24 = arith.mulf %max3A_20, %mul3A : vector<8192x64xf32>
    %reduce_sum3A = arith.constant dense<0.000000e+00> : vector<8192xf32>
    %reduce_sum3A_25 = vector.multi_reduction <add>, %mul3A_24, %reduce_sum3A [1] : vector<8192x64xf32> to vector<8192xf32>
    %get3A_26 = arith.constant 0 : index
    %get3A_27 = vector.load %arg6[%get3A_26] : memref<1xf32, #tpu.memory_space<vmem>>, vector<1xf32>
    %add3A_28 = vector.broadcast %get3A_27 : vector<1xf32> to vector<8192xf32>
    %add3A_29 = arith.addf %reduce_sum3A_25, %add3A_28 : vector<8192xf32>
    %logistic3A = arith.negf %add3A_29 : vector<8192xf32>
    %logistic3A_30 = math.exp %logistic3A : vector<8192xf32>
    %logistic3A_31 = arith.constant 1.000000e+00 : f32
    %logistic3A_32 = vector.broadcast %logistic3A_31 : f32 to vector<8192xf32>
    %logistic3A_33 = arith.addf %logistic3A_32, %logistic3A_30 : vector<8192xf32>
    %logistic3A_34 = arith.divf %logistic3A_32, %logistic3A_33 : vector<8192xf32>
    %swap3A = arith.constant 0 : index
    %swap3A_35 = vector.load %arg7[%swap3A] : memref<8192xf32, #tpu.memory_space<vmem>>, vector<8192xf32>
    tpu.vector_store %arg7[%swap3A], %logistic3A_34 {strides = array<i32>} : memref<8192xf32, #tpu.memory_space<vmem>>, vector<8192xf32>,
    return
  }
  func.func @transform_0(%arg0: i32) -> (i32, i32) {
    %c0_i32 = arith.constant 0 : i32
    %c0_i32_0 = arith.constant 0 : i32
    return %arg0, %c0_i32 : i32, i32
  }
  func.func @transform_1(%arg0: i32) -> (i32, i32) {
    %c0_i32 = arith.constant 0 : i32
    %c0_i32_0 = arith.constant 0 : i32
    return %arg0, %c0_i32 : i32, i32
  }
  func.func @transform_2(%arg0: i32) -> (i32, i32) {
    %c0_i32 = arith.constant 0 : i32
    %c0_i32_0 = arith.constant 0 : i32
    %c0_i32_1 = arith.constant 0 : i32
    return %c0_i32, %c0_i32_0 : i32, i32
  }
  func.func @transform_3(%arg0: i32) -> (i32, i32) {
    %c0_i32 = arith.constant 0 : i32
    %c0_i32_0 = arith.constant 0 : i32
    %c0_i32_1 = arith.constant 0 : i32
    return %c0_i32, %c0_i32_0 : i32, i32
  }
  func.func @transform_4(%arg0: i32) -> (i32, i32) {
    %c0_i32 = arith.constant 0 : i32
    %c0_i32_0 = arith.constant 0 : i32
    %c0_i32_1 = arith.constant 0 : i32
    return %c0_i32, %c0_i32_0 : i32, i32
  }
  func.func @transform_5(%arg0: i32) -> i32 {
    %c0_i32 = arith.constant 0 : i32
    %c0_i32_0 = arith.constant 0 : i32
    return %c0_i32 : i32
  }
  func.func @transform_6(%arg0: i32) -> i32 {
    %c0_i32 = arith.constant 0 : i32
    return %arg0 : i32
  }
}

</mosaic_0001>

<sc_bundles>
// kernel: kernel.4.cloned.1.call-start
scs
__scs_entry_jumppad:
0x0: {  	(pc) =	sbr.rel $0x88, $3  }
0x1: {  	(tag) =	ssettag $0x0;
	lr =	simm.s32 $0x1  }
0x2: {  	[smem:$0x3F99] =	sst lr;
	_ =	strace $0xD0000000  }
0x3: {  	_ = 	snop  }
0x4: {  	_ = 	snop  }
0x5: {  	_ = 	snop  }
0x6: {  	_ = 	snop  }
0x7: {  	_ = 	snop  }
__scs_overlays_trampoline_lowered:
0x8: {  	[smem:$0x3FA8] =	sst s0  }
0x9: {  	[smem:$0x3FA9] =	sst s1  }
0xa: {  	[smem:$0x3FAA] =	sst s2  }
0xb: {  	[smem:$0x3FAB] =	sst s3  }
0xc: {  	[smem:$0x3FAC] =	sst s4  }
0xd: {  	[smem:$0x3FAD] =	sst s5  }
0xe: {  	[smem:$0x3FAE] =	sst s6  }
0xf: {  	[smem:$0x3FAF] =	sst s7  }
0x10: {  	[smem:$0x3FB0] =	sst s8  }
0x11: {  	[smem:$0x3FB1] =	sst s9;
	s0 =	simm.s32 @!p0 $0x0  }
0x12: {  	s1 =	sld [smem:$0x3F97];
	s0 =	simm.s32 @p0 $0x1  }
0x13: {  	[smem:$0x3FB2] =	sst s0;
	s0 =	simm.s32 @!p1 $0x0  }
0x14: {  	s2 =	sld [smem:$0x3F96];
	s0 =	simm.s32 @p1 $0x1  }
0x15: {  	[smem:$0x3FB3] =	sst s0;
	s0 =	simm.s32 @!p2 $0x0  }
0x16: {  	s3 =	sld [smem:$0x3FDB];
	s0 =	simm.s32 @p2 $0x1  }
0x17: {  	s4 =	simm.s32 $0x1BF5;
	[smem:$0x3FB5] =	sst s0  }
0x18: {  	s0 =	sld [smem:$0x3F98];
	_ =	swait.ge [sflag:s4], $0x0  }
0x19: {  	s7 =	sld [smem:$0x3F99]  }
0x1a: {  	s8 =	sadd.s32 $0xFFFFE003, lr  }
0x1b: {  	s9 =	sadd.s32 $0xFFFFFEF7, lr;
	s5 =	simm.s32 $0xFFFFFFFF;
	p2 =	slt.u32 s8, $0xFFFFF086  }
0x1c: {  	p1 =	slt.u32 s9, $0xF7A;
	s5 =	simm.s32 @!p2 $0x0  }
0x1d: {  	s5 =	simm.s32 @p1 $0x1;
	p0 =	seq.s32 s7, s2  }
0x1e: {  	s7 =	smul.u32 @!p0 $0xF7A, s2;
	p2 =	seq.s32 @!p0 s5, $0x0  }
0x1f: {  	s9 =	smul.u32 $0xF7A, s1;
	s8 =	simm.s32 @!p0 $0x1BF5;
	p2 =	por !p2, p0  }
0x20: {  	[sflag:s8] =	ssyncset.s32 @!p0 $0xFFFFF086;
	s6 =	sadd.s32 @!p0 s3, s7;
	s7 =	simm.s32 @!p0 $0x108  }
0x21: {  	s3 =	sadd.s32 s3, s9;
	s6 =	sadd.s32 @!p0 $0x88, s6;
	s7 =	simm.s32 @p2 $0x1082  }
0x22: {  	[simem:s7], [sflag:s8] =	dma.local @!p0 [hbm:s6], $0xF7A  }
0x23: {  	s9 =	sor.u32 $0xD0000000, s2;
	s6 =	simm.s32 $0x108;
	_ =	swait.ge @!p0 [sflag:s8], $0x0  }
0x24: {  	s3 =	sadd.s32 $0x88, s3;
	s6 =	simm.s32 @!p1 $0x1082;
	[sflag:s4] =	ssyncset.s32 $0xFFFFF086  }
0x25: {  	[simem:s6], [sflag:s4] =	dma.local [hbm:s3], $0xF7A  }
0x26: {  	[smem:$0x3F99] =	sst s1;
	(tag) =	ssettag s2;
	_ =	strace s9  }
0x27: {  	s1 =	sld [smem:$0x3FA9]  }
0x28: {  	s2 =	sld [smem:$0x3FAA]  }
0x29: {  	s4 =	sld [smem:$0x3FAC]  }
0x2a: {  	p0 =	seq.s32 s5, $0x0;
	s5 =	sld [smem:$0x3FAD]  }
0x2b: {  	s6 =	sld [smem:$0x3FAE]  }
0x2c: {  	s7 =	sld [smem:$0x3FAF]  }
0x2d: {  	s3 =	simm.s32 $0x108;
	s8 =	sld [smem:$0x3FB0]  }
0x2e: {  	s3 =	simm.s32 @!p0 $0x1082;
	s9 =	sld [smem:$0x3FB1]  }
0x2f: {  	lr =	sadd.s32 s0, s3;
	s0 =	sld [smem:$0x3FA8]  }
0x30: {  	s3 =	sld [smem:$0x3FAB]  }
0x31: {  	[smem:$0x3FB4] =	sst s10  }
0x32: {  	s10 =	sld [smem:$0x3FB2];
	_ =	sdelay $0x3  }
0x33: {  	p0 =	seq.s32 s10, $0x1;
	s10 =	sld [smem:$0x3FB4];
	_ =	sdelay $0x3  }
0x34: {  	[smem:$0x3FB4] =	sst s10  }
0x35: {  	s10 =	sld [smem:$0x3FB3];
	_ =	sdelay $0x3  }
0x36: {  	p1 =	seq.s32 s10, $0x1;
	s10 =	sld [smem:$0x3FB4];
	_ =	sdelay $0x3  }
0x37: {  	[smem:$0x3FB4] =	sst s10  }
0x38: {  	s10 =	sld [smem:$0x3FB5]  }
0x39: {  	_ = 	snop;
	(pc) =	sbr.ind lr, $3  }
0x3a: {  	_ = 	snop  }
0x3b: {  	_ = 	snop  }
0x3c: {  	p2 =	seq.s32 s10, $0x1;
	s10 =	sld [smem:$0x3FB4]  }
0x3d: {  	_ =	shalt  }
0x3e: {  	_ =	shalt  }
0x3f: {  	_ =	shalt  }
0x40: {  	_ =	shalt  }
0x41: {  	_ =	shalt  }
0x42: {  	_ =	shalt  }
0x43: {  	_ =	shalt  }
0x44: {  	_ =	shalt  }
0x45: {  	_ =	shalt  }
0x46: {  	_ =	shalt  }
0x47: {  	_ =	shalt  }
0x48: {  	_ =	shalt  }
0x49: {  	_ =	shalt  }
0x4a: {  	_ =	shalt  }
0x4b: {  	_ =	shalt  }
0x4c: {  	_ =	shalt  }
0x4d: {  	_ =	shalt  }
0x4e: {  	_ =	shalt  }
0x4f: {  	_ =	shalt  }
0x50: {  	_ =	shalt  }
0x51: {  	_ =	shalt  }
0x52: {  	_ =	shalt  }
0x53: {  	_ =	shalt  }
0x54: {  	_ =	shalt  }
0x55: {  	_ =	shalt  }
0x56: {  	_ =	shalt  }
0x57: {  	_ =	shalt  }
0x58: {  	_ =	shalt  }
0x59: {  	_ =	shalt  }
0x5a: {  	_ =	shalt  }
0x5b: {  	_ =	shalt  }
0x5c: {  	_ =	shalt  }
0x5d: {  	_ =	shalt  }
0x5e: {  	_ =	shalt  }
0x5f: {  	_ =	shalt  }
0x60: {  	_ =	shalt  }
0x61: {  	_ =	shalt  }
0x62: {  	_ =	shalt  }
0x63: {  	_ =	shalt  }
0x64: {  	_ =	shalt  }
0x65: {  	_ =	shalt  }
0x66: {  	_ =	shalt  }
0x67: {  	_ =	shalt  }
0x68: {  	_ =	shalt  }
0x69: {  	_ =	shalt  }
0x6a: {  	_ =	shalt  }
0x6b: {  	_ =	shalt  }
0x6c: {  	_ =	shalt  }
0x6d: {  	_ =	shalt  }
0x6e: {  	_ =	shalt  }
0x6f: {  	_ =	shalt  }
0x70: {  	_ =	shalt  }
0x71: {  	_ =	shalt  }
0x72: {  	_ =	shalt  }
0x73: {  	_ =	shalt  }
0x74: {  	_ =	shalt  }
0x75: {  	_ =	shalt  }
0x76: {  	_ =	shalt  }
0x77: {  	_ =	shalt  }
0x78: {  	_ =	shalt  }
0x79: {  	_ =	shalt  }
0x7a: {  	_ =	shalt  }
0x7b: {  	_ =	shalt  }
0x7c: {  	_ =	shalt  }
0x7d: {  	_ =	shalt  }
0x7e: {  	_ =	shalt  }
0x7f: {  	_ =	shalt  }
0x80: {  	_ =	shalt  }
0x81: {  	_ =	shalt  }
0x82: {  	_ =	shalt  }
0x83: {  	_ =	shalt  }
0x84: {  	_ =	shalt  }
0x85: {  	_ =	shalt  }
0x86: {  	_ =	shalt  }
0x87: {  	_ =	shalt  }
.Lfunc_end0:
.L_simem_size_0:
called_computation_lowered:
.L_overlay_start_0:
0x88: {  	s2 =	sld [smem:$0x3FD9]  }
0x89: {  	s3 =	sld [smem:$0x3FFE];
	_ =	sdelay $0x1  }
0x8a: {  	s1 =	srdreg.scid  }
0x8b: {  	s0 =	sand.u32 $0x1, s1  }
0x8c: {  	s17 =	sshll.u32 s0, $0xA;
	s2 =	sadd.s32 s3, s2  }
0x8d: {  	s2 =	sadd.s32 s2, s17  }
0x8e: {  	[smem:$0x3FC0] =	sst s2  }
0x8f: {  	_ = 	snop  }
0x90: {  	s2 =	sld [smem:$0x3FC9]  }
0x91: {  	s18 =	sld [smem:$0x3FC8]  }
0x92: {  	s4 =	sld [smem:$0x3FC7]  }
0x93: {  	s5 =	sld [smem:$0x3FC6];
	(tm) =	ssettm $0x1  }
0x94: {  	s6 =	sld [smem:$0x3FFB];
	_ =	sdelay $0x3  }
0x95: {  	_ =	strace s6  }
0x96: {  	s6 =	sld [smem:$0x3FFC];
	_ =	sdelay $0x3  }
0x97: {  	_ =	strace s6  }
0x98: {  	s6 =	sld [smem:$0x3FFD];
	_ =	sdelay $0x3  }
0x99: {  	_ =	strace s6  }
0x9a: {  	_ =	strace $0x8FFFFFFF  }
0x9b: {  	s19 =	sld [smem:$0x3FDB];
	_ =	sdelay $0x1  }
0x9c: {  	s7 =	simm.s32 $_scs_section_size  }
0x9d: {  	s8 =	simm.s32 $_size__tile_overlayer_lowered;
	s9 =	simm.s32 $_tile_overlayer_lowered  }
0x9e: {  	s22 =	simm.s32 $0x1BFF;
	s21 =	sshll.u32 s9, $0x1;
	s6 =	sadd.s32 s7, s19  }
0x9f: {  	s10 =	simm.s32 $0x0;
	s20 =	sshll.u32 s8, $0x1;
	s8 =	sadd.s32 s21, s6  }
0xa0: {  	[timem:s10], [sflag:s22] =	dma.local [hbm:s8], s20  }
0xa1: {  	_ =	swait.ge [sflag:s22], s20  }
0xa2: {  	s7 =	ssub.s32 $0x0, s20;
	[sflag:s22] =	ssyncset.done $0x0  }
0xa3: {  	[sflag:s22] =	ssyncadd.s32 s7;
	_ =	sdelay $0x1  }
0xa4: {  	s23 =	simm.s32 $0x1B8B  }
0xa5: {  	_ =	swait.ge [sflag:s23], $0x1  }
0xa6: {  	[sflag:s23] =	ssyncset.done $0x0  }
0xa7: {  	s25 =	simm.s32 $0x1B8E;
	s24 =	sld [smem:$0x3FFE];
	[sflag:s23] =	ssyncadd.s32 $0xFFFFFFFF  }
0xa8: {  	s26 =	simm.s32 $execute0_lowered;
	[smem:$0x3FD2] =	sst s25  }
0xa9: {  	s8 =	sshll.u32 s26, $0x1;
	_ =	strace $0x80000046;
	[dreg:$0x1] =	wrdreg $0xFFFFFFFF  }
0xaa: {  	s28 =	simm.s32 $_size_execute0_lowered;
	s6 =	sadd.s32 s6, s8;
	[dreg:$0x0] =	wrdreg $0x0  }
0xab: {  	s8 =	sshll.u32 s28, $0x1;
	[dreg:$0x2] =	wrdreg s6  }
0xac: {  	[dreg:$0x3] =	wrdreg s8  }
0xad: {  	[dreg:$0x4] =	wrdreg $0xC0  }
0xae: {  	_ =	task [dreg:s10], $0x5FFFF  }
0xaf: {  	[dreg:$0x1] =	wrdreg $0xFFFFFFFF  }
0xb0: {  	[dreg:$0x0] =	wrdreg $0x60  }
0xb1: {  	[dreg:$0x2] =	wrdreg s4  }
0xb2: {  	[dreg:$0x3] =	wrdreg s2  }
0xb3: {  	[dreg:$0x4] =	wrdreg s5  }
0xb4: {  	[dreg:$0x5] =	wrdreg s18  }
0xb5: {  	[dreg:$0x6] =	wrdreg s24  }
0xb6: {  	[dreg:$0x7] =	wrdreg $0x9  }
0xb7: {  	_ =	task.clear_ibuf [dreg:s10], $0x8FFFF;
	_ =	strace $0x90000046  }
0xb8: {  	s29 =	simm.s32 $0x9;
	_ =	strace $0x80000048  }
0xb9: {  	_ =	swait.ge [sflag:s29], $0x1  }
0xba: {  	[sflag:s29] =	ssyncadd.s32 $0xFFFFFFFF  }
0xbb: {  	_ =	strace $0x90000048  }
0xbc: {  	_ =	sfence  }
0xbd: {  	s30 =	sld [smem:$0x0];
	_ =	sdelay $0x2  }
0xbe: {  	s31 =	sshll.u32 s1, $0xD;
	s1 =	sshrl.u32 s1, $0x2  }
0xbf: {  	s3 =	sand.u32 $0x4000, s31;
	s1 =	sadd.s32 s1, s30  }
0xc0: {  	s0 =	sor.u32 s3, s0;
	s1 =	sshll.u32 s1, $0x11  }
0xc1: {  	s0 =	sor.u32 s1, s0  }
0xc2: {  	s0 =	sadd.s32 $0x8F2B, s0  }
0xc3: {  	[sflag:s0] =	ssyncadd.remote.s32 $0x1  }
0xc4: {  	_ =	sfence.sel $0xFFFF  }
0xc5: {  	[dreg:$0x0] =	wrdreg $0xFFFFFFFF;
	(pc) =	sbr.abs _section_cstart, $3  }
0xc6: {  	[dreg:$0x1] =	wrdreg $0xFFFFFFFF  }
0xc7: {  	_ =	task.clear_ibuf [dreg:s10], $0x2FFFF;
	_ =	strace $0x9FFFFFFF  }
0xc8: {  	(tm) =	ssettm $0x7FFFFFFF  }
0xc9: {  	_ =	shalt  }
tec
execute0_lowered:
.L_overlay_start_1:
0x0: {  	(tag) =	ssettag $0x1  }
0x1: {  	s1 =	rddreg [dreg:$0x0]  }
0x2: {  	s5 =	rddreg [dreg:$0x1];
	s2 =	srdreg.scid  }
0x3: {  	s3 =	rddreg [dreg:$0x2];
	s0 =	stileid.u32;
	s2 =	sand.u32 $0x1, s2  }
0x4: {  	s6 =	rddreg [dreg:$0x3];
	s7 =	sshll.u32 s0, $0xA;
	s8 =	sshll.u32 s2, $0x9  }
0x5: {  	s14 =	rddreg [dreg:$0x4];
	s4 =	simm.s32 $0x0;
	s7 =	sor.u32 s8, s7  }
0x6: {  	[smem:$0x7FF] =	sst s4;
	s8 =	sshrl.u32 s7, $0x3  }
0x7: {  	s30 =	sadd.s32 $0x1200, s14;
	_ =	strace $0x80000047;
	s5 =	sadd.s32 s5, s8  }
0x8: {  	s31 =	sshll.u32 s7, $0x4;
	s22 =	sadd.s32 s6, s8;
	[dreg:$0x6] =	wrdreg s5  }
0x9: {  	s24 =	sadd.s32 s30, s31;
	[dreg:$0x7] =	wrdreg s22  }
0xa: {  	[dreg:$0x8] =	wrdreg s24  }
0xb: {  	s23 =	rddreg [dreg:$0x6]  }
0xc: {  	[tilespmem:s4], [sflag:$0x1] =	stream.linear.gather [hbm4b:s23+s4], $0x200, $0x38;
	[tilespmem:$0x10400] =	vst v63  }
0xd: {  	s6 =	simm.s32 $0x1;
	s5 =	simm.s32 $0x200;
	s25 =	rddreg [dreg:$0x7]  }
0xe: {  	[tilespmem:s5], [sflag:$0x2] =	stream.linear.gather [hbm4b:s25+s4], $0x200, $0x38;
	[tilespmem:$0x10400] =	vst v63  }
0xf: {  	_ =	swait.ge [sflag:s6], $0x200  }
0x10: {  	[sflag:s6] =	ssyncset.done $0x0  }
0x11: {  	s7 =	simm.s32 $0x2;
	[sflag:s6] =	ssyncadd.s32 $0xFFFFFE00  }
0x12: {  	_ =	swait.ge [sflag:s7], $0x200  }
0x13: {  	[sflag:s7] =	ssyncset.done $0x0  }
0x14: {  	s9 =	simm.s32 $0x400;
	s8 =	simm.s32 $0x80;
	[sflag:s7] =	ssyncadd.s32 $0xFFFFFE00  }
0x15: {  	[tilespmem:s9], [sflag:$0x1] =	stream.indirect.gather [hbm4b:s1+s8], $0x80, s4, s8, $0xb8;
	[tilespmem:$0x10400] =	vst v63  }
0x16: {  	s10 =	simm.s32 $0x4400  }
0x17: {  	[tilespmem:s10], [sflag:$0x2] =	stream.indirect.gather [hbm4b:s3+s8], $0x80, s5, s8, $0xb8;
	[tilespmem:$0x10400] =	vst v63  }
0x18: {  	s11 =	simm.s32 $0x8400  }
0x19: {  	[tilespmem:s11], [sflag:$0x3] =	stream.indirect.gather [hbm4b:s1+s8], $0x80, s8, s8, $0xb8;
	[tilespmem:$0x10400] =	vst v63  }
0x1a: {  	_ =	swait.ge [sflag:s6], $0x4000  }
0x1b: {  	[sflag:s6] =	ssyncset.done $0x0  }
0x1c: {  	s12 =	rddreg [dreg:$0x8];
	[sflag:s6] =	ssyncadd.s32 $0xFFFFC000  }
0x1d: {  	[hbm4b:s12+s4] =	stream.linear.scatter [tilespmem:s9], [sflag:$0x5], $0x4000, $0x38;
	[tilespmem:$0x10400] =	vst v63  }
0x1e: {  	s26 =	simm.s32 $0x280;
	s13 =	simm.s32 $0xC400  }
0x1f: {  	[tilespmem:s13], [sflag:$0x4] =	stream.indirect.gather [hbm4b:s3+s8], $0x80, s26, s8, $0xb8;
	[tilespmem:$0x10400] =	vst v63  }
0x20: {  	_ =	swait.ge [sflag:s7], $0x4000  }
0x21: {  	s12 =	sadd.s32 $0x41200, s14;
	[sflag:s7] =	ssyncset.done $0x0  }
0x22: {  	s15 =	simm.s32 $0x5;
	s14 =	sadd.s32 s12, s31;
	[sflag:s7] =	ssyncadd.s32 $0xFFFFC000  }
0x23: {  	[hbm4b:s14+s4] =	stream.linear.scatter [tilespmem:s10], [sflag:$0x6], $0x4000, $0x38;
	[tilespmem:$0x10400] =	vst v63  }
0x24: {  	_ =	swait.ge [sflag:s15], $0x4000  }
0x25: {  	[sflag:s15] =	ssyncset.done $0x0  }
0x26: {  	s16 =	simm.s32 $0x100;
	s17 =	simm.s32 $0x3;
	[sflag:s15] =	ssyncadd.s32 $0xFFFFC000  }
0x27: {  	[tilespmem:s9], [sflag:$0x1] =	stream.indirect.gather [hbm4b:s1+s8], $0x80, s16, s8, $0xb8;
	[tilespmem:$0x10400] =	vst v63  }
0x28: {  	_ =	swait.ge [sflag:s17], $0x4000  }
0x29: {  	s22 =	sor.u32 $0x800, s31;
	[sflag:s17] =	ssyncset.done $0x0  }
0x2a: {  	s19 =	simm.s32 $0x6;
	s18 =	sadd.s32 s30, s22;
	[sflag:s17] =	ssyncadd.s32 $0xFFFFC000  }
0x2b: {  	[hbm4b:s18+s4] =	stream.linear.scatter [tilespmem:s11], [sflag:$0x7], $0x4000, $0x38;
	[tilespmem:$0x10400] =	vst v63  }
0x2c: {  	_ =	swait.ge [sflag:s19], $0x4000  }
0x2d: {  	[sflag:s19] =	ssyncset.done $0x0  }
0x2e: {  	s20 =	simm.s32 $0x300;
	s21 =	simm.s32 $0x4;
	[sflag:s19] =	ssyncadd.s32 $0xFFFFC000  }
0x2f: {  	[tilespmem:s10], [sflag:$0x2] =	stream.indirect.gather [hbm4b:s3+s8], $0x80, s20, s8, $0xb8;
	[tilespmem:$0x10400] =	vst v63  }
0x30: {  	_ =	swait.ge [sflag:s21], $0x4000  }
0x31: {  	[sflag:s21] =	ssyncset.done $0x0  }
0x32: {  	s23 =	simm.s32 $0x7;
	s22 =	sadd.s32 s12, s22;
	[sflag:s21] =	ssyncadd.s32 $0xFFFFC000  }
0x33: {  	[hbm4b:s22+s4] =	stream.linear.scatter [tilespmem:s13], [sflag:$0x8], $0x4000, $0x38;
	[tilespmem:$0x10400] =	vst v63  }
0x34: {  	_ =	swait.ge [sflag:s23], $0x4000  }
0x35: {  	[sflag:s23] =	ssyncset.done $0x0  }
0x36: {  	s24 =	simm.s32 $0x180;
	[sflag:s23] =	ssyncadd.s32 $0xFFFFC000  }
0x37: {  	[tilespmem:s11], [sflag:$0x3] =	stream.indirect.gather [hbm4b:s1+s8], $0x80, s24, s8, $0xb8;
	[tilespmem:$0x10400] =	vst v63  }
0x38: {  	_ =	swait.ge [sflag:s6], $0x4000  }
0x39: {  	s29 =	sor.u32 $0x1000, s31;
	[sflag:s6] =	ssyncset.done $0x0  }
0x3a: {  	s25 =	simm.s32 $0x8;
	s26 =	sadd.s32 s30, s29;
	[sflag:s6] =	ssyncadd.s32 $0xFFFFC000  }
0x3b: {  	[hbm4b:s26+s4] =	stream.linear.scatter [tilespmem:s9], [sflag:$0x5], $0x4000, $0x38;
	[tilespmem:$0x10400] =	vst v63  }
0x3c: {  	_ =	swait.ge [sflag:s25], $0x4000  }
0x3d: {  	[sflag:s25] =	ssyncset.done $0x0  }
0x3e: {  	s28 =	simm.s32 $0x380;
	[sflag:s25] =	ssyncadd.s32 $0xFFFFC000  }
0x3f: {  	[tilespmem:s13], [sflag:$0x4] =	stream.indirect.gather [hbm4b:s3+s8], $0x80, s28, s8, $0xb8;
	[tilespmem:$0x10400] =	vst v63  }
0x40: {  	_ =	swait.ge [sflag:s7], $0x4000  }
0x41: {  	[sflag:s7] =	ssyncset.done $0x0  }
0x42: {  	s29 =	sadd.s32 s12, s29;
	[sflag:s7] =	ssyncadd.s32 $0xFFFFC000  }
0x43: {  	[hbm4b:s29+s4] =	stream.linear.scatter [tilespmem:s10], [sflag:$0x6], $0x4000, $0x38;
	[tilespmem:$0x10400] =	vst v63  }
0x44: {  	_ =	swait.ge [sflag:s17], $0x4000  }
0x45: {  	s31 =	sor.u32 $0x1800, s31;
	[sflag:s17] =	ssyncset.done $0x0  }
0x46: {  	s30 =	sadd.s32 s30, s31;
	[sflag:s17] =	ssyncadd.s32 $0xFFFFC000  }
0x47: {  	[hbm4b:s30+s4] =	stream.linear.scatter [tilespmem:s11], [sflag:$0x7], $0x4000, $0x38;
	[tilespmem:$0x10400] =	vst v63  }
0x48: {  	_ =	swait.ge [sflag:s21], $0x4000  }
0x49: {  	[sflag:s21] =	ssyncset.done $0x0  }
0x4a: {  	s31 =	sadd.s32 s12, s31;
	[sflag:s21] =	ssyncadd.s32 $0xFFFFC000  }
0x4b: {  	[hbm4b:s31+s4] =	stream.linear.scatter [tilespmem:s13], [sflag:$0x8], $0x4000, $0x38;
	[tilespmem:$0x10400] =	vst v63  }
0x4c: {  	s12 =	ssub.s32 $0x2, s2;
	_ =	swait.ge [sflag:s15], $0x4000  }
0x4d: {  	s2 =	sshrl.u32 s12, $0x1;
	[sflag:s15] =	ssyncset.done $0x0  }
0x4e: {  	s0 =	ssub.s32 s12, s2;
	[sflag:s15] =	ssyncadd.s32 $0xFFFFC000  }
0x4f: {  	s0 =	smax.u32 s0, $0x1;
	_ =	swait.ge [sflag:s19], $0x4000  }
0x50: {  	p0 =	sne.s32 s0, $0x1;
	[sflag:s19] =	ssyncset.done $0x0  }
.Ltmp0:
0x51: {  	[sflag:s19] =	ssyncadd.s32 $0xFFFFC000;
	(pc) =	sbr.rel @!p0 .LBB2_2-.Ltmp0, $4  }
0x52: {  	_ =	swait.ge [sflag:s23], $0x4000  }
0x53: {  	[sflag:s23] =	ssyncset.done $0x0  }
0x54: {  	[sflag:s23] =	ssyncadd.s32 $0xFFFFC000  }
0x55: {  	s2 =	sadd.s32 $0xFFFFFFFF, s0;
	_ =	swait.ge [sflag:s25], $0x4000  }
.LBB2_1:
0x56: {  	[sflag:s25] =	ssyncset.done $0x0  }
0x57: {  	s0 =	rddreg [dreg:$0x6];
	[sflag:s25] =	ssyncadd.s32 $0xFFFFC000  }
0x58: {  	[tilespmem:s4], [sflag:$0x1] =	stream.linear.gather [hbm4b:s0+s4], $0x200, $0x38;
	[tilespmem:$0x10400] =	vst v63  }
0x59: {  	s12 =	rddreg [dreg:$0x7]  }
0x5a: {  	[tilespmem:s5], [sflag:$0x2] =	stream.linear.gather [hbm4b:s12+s4], $0x200, $0x38;
	[tilespmem:$0x10400] =	vst v63  }
0x5b: {  	_ =	swait.ge [sflag:s6], $0x200  }
0x5c: {  	[sflag:s6] =	ssyncset.done $0x0  }
0x5d: {  	[sflag:s6] =	ssyncadd.s32 $0xFFFFFE00  }
0x5e: {  	_ =	swait.ge [sflag:s7], $0x200  }
0x5f: {  	[sflag:s7] =	ssyncset.done $0x0  }
0x60: {  	[sflag:s7] =	ssyncadd.s32 $0xFFFFFE00  }
0x61: {  	[tilespmem:s9], [sflag:$0x1] =	stream.indirect.gather [hbm4b:s1+s8], $0x80, s4, s8, $0xb8;
	[tilespmem:$0x10400] =	vst v63  }
0x62: {  	_ = 	snop  }
0x63: {  	[tilespmem:s10], [sflag:$0x2] =	stream.indirect.gather [hbm4b:s3+s8], $0x80, s5, s8, $0xb8;
	[tilespmem:$0x10400] =	vst v63  }
0x64: {  	_ = 	snop  }
0x65: {  	[tilespmem:s11], [sflag:$0x3] =	stream.indirect.gather [hbm4b:s1+s8], $0x80, s8, s8, $0xb8;
	[tilespmem:$0x10400] =	vst v63  }
0x66: {  	_ =	swait.ge [sflag:s6], $0x4000  }
0x67: {  	[sflag:s6] =	ssyncset.done $0x0  }
0x68: {  	s12 =	rddreg [dreg:$0x8];
	[sflag:s6] =	ssyncadd.s32 $0xFFFFC000  }
0x69: {  	[hbm4b:s12+s4] =	stream.linear.scatter [tilespmem:s9], [sflag:$0x5], $0x4000, $0x38;
	[tilespmem:$0x10400] =	vst v63  }
0x6a: {  	s12 =	simm.s32 $0x280  }
0x6b: {  	[tilespmem:s13], [sflag:$0x4] =	stream.indirect.gather [hbm4b:s3+s8], $0x80, s12, s8, $0xb8;
	[tilespmem:$0x10400] =	vst v63  }
0x6c: {  	_ =	swait.ge [sflag:s7], $0x4000  }
0x6d: {  	[sflag:s7] =	ssyncset.done $0x0  }
0x6e: {  	[sflag:s7] =	ssyncadd.s32 $0xFFFFC000  }
0x6f: {  	[hbm4b:s14+s4] =	stream.linear.scatter [tilespmem:s10], [sflag:$0x6], $0x4000, $0x38;
	[tilespmem:$0x10400] =	vst v63  }
0x70: {  	_ =	swait.ge [sflag:s15], $0x4000  }
0x71: {  	[sflag:s15] =	ssyncset.done $0x0  }
0x72: {  	[sflag:s15] =	ssyncadd.s32 $0xFFFFC000  }
0x73: {  	[tilespmem:s9], [sflag:$0x1] =	stream.indirect.gather [hbm4b:s1+s8], $0x80, s16, s8, $0xb8;
	[tilespmem:$0x10400] =	vst v63  }
0x74: {  	_ =	swait.ge [sflag:s17], $0x4000  }
0x75: {  	[sflag:s17] =	ssyncset.done $0x0  }
0x76: {  	[sflag:s17] =	ssyncadd.s32 $0xFFFFC000  }
0x77: {  	[hbm4b:s18+s4] =	stream.linear.scatter [tilespmem:s11], [sflag:$0x7], $0x4000, $0x38;
	[tilespmem:$0x10400] =	vst v63  }
0x78: {  	_ =	swait.ge [sflag:s19], $0x4000  }
0x79: {  	[sflag:s19] =	ssyncset.done $0x0  }
0x7a: {  	[sflag:s19] =	ssyncadd.s32 $0xFFFFC000  }
0x7b: {  	[tilespmem:s10], [sflag:$0x2] =	stream.indirect.gather [hbm4b:s3+s8], $0x80, s20, s8, $0xb8;
	[tilespmem:$0x10400] =	vst v63  }
0x7c: {  	_ =	swait.ge [sflag:s21], $0x4000  }
0x7d: {  	[sflag:s21] =	ssyncset.done $0x0  }
0x7e: {  	[sflag:s21] =	ssyncadd.s32 $0xFFFFC000  }
0x7f: {  	[hbm4b:s22+s4] =	stream.linear.scatter [tilespmem:s13], [sflag:$0x8], $0x4000, $0x38;
	[tilespmem:$0x10400] =	vst v63  }
0x80: {  	_ =	swait.ge [sflag:s23], $0x4000  }
0x81: {  	[sflag:s23] =	ssyncset.done $0x0  }
0x82: {  	[sflag:s23] =	ssyncadd.s32 $0xFFFFC000  }
0x83: {  	[tilespmem:s11], [sflag:$0x3] =	stream.indirect.gather [hbm4b:s1+s8], $0x80, s24, s8, $0xb8;
	[tilespmem:$0x10400] =	vst v63  }
0x84: {  	_ =	swait.ge [sflag:s6], $0x4000  }
0x85: {  	[sflag:s6] =	ssyncset.done $0x0  }
0x86: {  	[sflag:s6] =	ssyncadd.s32 $0xFFFFC000  }
0x87: {  	[hbm4b:s26+s4] =	stream.linear.scatter [tilespmem:s9], [sflag:$0x5], $0x4000, $0x38;
	[tilespmem:$0x10400] =	vst v63  }
0x88: {  	_ =	swait.ge [sflag:s25], $0x4000  }
0x89: {  	[sflag:s25] =	ssyncset.done $0x0  }
0x8a: {  	[sflag:s25] =	ssyncadd.s32 $0xFFFFC000  }
0x8b: {  	[tilespmem:s13], [sflag:$0x4] =	stream.indirect.gather [hbm4b:s3+s8], $0x80, s28, s8, $0xb8;
	[tilespmem:$0x10400] =	vst v63  }
0x8c: {  	_ =	swait.ge [sflag:s7], $0x4000  }
0x8d: {  	[sflag:s7] =	ssyncset.done $0x0  }
0x8e: {  	[sflag:s7] =	ssyncadd.s32 $0xFFFFC000  }
0x8f: {  	[hbm4b:s29+s4] =	stream.linear.scatter [tilespmem:s10], [sflag:$0x6], $0x4000, $0x38;
	[tilespmem:$0x10400] =	vst v63  }
0x90: {  	_ =	swait.ge [sflag:s17], $0x4000  }
0x91: {  	[sflag:s17] =	ssyncset.done $0x0  }
0x92: {  	[sflag:s17] =	ssyncadd.s32 $0xFFFFC000  }
0x93: {  	[hbm4b:s30+s4] =	stream.linear.scatter [tilespmem:s11], [sflag:$0x7], $0x4000, $0x38;
	[tilespmem:$0x10400] =	vst v63  }
0x94: {  	_ =	swait.ge [sflag:s21], $0x4000  }
0x95: {  	[sflag:s21] =	ssyncset.done $0x0  }
0x96: {  	[sflag:s21] =	ssyncadd.s32 $0xFFFFC000  }
0x97: {  	[hbm4b:s31+s4] =	stream.linear.scatter [tilespmem:s13], [sflag:$0x8], $0x4000, $0x38;
	[tilespmem:$0x10400] =	vst v63  }
0x98: {  	_ =	swait.ge [sflag:s15], $0x4000  }
0x99: {  	[sflag:s15] =	ssyncset.done $0x0  }
0x9a: {  	[sflag:s15] =	ssyncadd.s32 $0xFFFFC000  }
0x9b: {  	_ =	swait.ge [sflag:s19], $0x4000  }
0x9c: {  	p0 =	sne.s32 s2, $0x1;
	[sflag:s19] =	ssyncset.done $0x0  }
.Ltmp1:
0x9d: {  	[sflag:s19] =	ssyncadd.s32 $0xFFFFC000;
	(pc) =	sbr.rel @p0 .LBB2_1-.Ltmp1, $4  }
0x9e: {  	_ =	swait.ge [sflag:s23], $0x4000  }
0x9f: {  	[sflag:s23] =	ssyncset.done $0x0  }
0xa0: {  	[sflag:s23] =	ssyncadd.s32 $0xFFFFC000  }
0xa1: {  	s2 =	sadd.s32 $0xFFFFFFFF, s2;
	_ =	swait.ge [sflag:s25], $0x4000  }
.LBB2_2:
0xa2: {  	[sflag:s25] =	ssyncset.done $0x0  }
0xa3: {  	[sflag:s25] =	ssyncadd.s32 $0xFFFFC000  }
0xa4: {  	_ =	sfence.sel $0x180000  }
0xa5: {  	[bflag:$0x0] =	sbarrier.arrive $0xFFFF  }
0xa6: {  	_ =	strace $0x90000047  }
0xa7: {  	s0 =	stileid.u32;
	[bflag:$0x2] =	sbarrier.arrive $0xFFFF  }
0xa8: {  	p0 =	sne.s32 s0, $0x0;
	s0 =	rddreg [dreg:$0x5]  }
0xa9: {  	s0 =	sadd.s32 @!p0 $0x100000, s0  }
0xaa: {  	[sflag:s0] =	ssyncadd.tile.s32 @!p0 $0x1;
	_ =	shalt  }
.Lfunc_end2:
_tile_overlayer_lowered:
.L_overlay_start_2:
0xab: {  	(tag) =	ssettag $0x2  }
0xac: {  	s0 =	rddreg [dreg:$0x0];
	s2 =	stileid.u32  }
0xad: {  	s1 =	rddreg [dreg:$0x1];
	p0 =	sne.s32 s2, $0x0  }
0xae: {  	s3 =	rddreg [dreg:$0x2];
	[bflag:$0x3] =	sbarrier.arrive $0xFFFF;
	s2 =	simm.s32 @!p0 $0x1C09  }
0xaf: {  	[timem:s3], [sflag:s2] =	dma.local @!p0 [hbm:s0], s1  }
0xb0: {  	s0 =	simm.s32 @!p0 $0x9  }
0xb1: {  	_ =	swait.ge @!p0 [sflag:s0], s1  }
0xb2: {  	s1 =	ssub.s32 @!p0 $0x0, s1;
	[sflag:s0] =	ssyncset.done @!p0 $0x0  }
0xb3: {  	[sflag:s0] =	ssyncadd.s32 @!p0 s1  }
0xb4: {  	[bflag:$0x3] =	sbarrier.arrive $0xFFFF  }
0xb5: {  	_ =	shalt  }

</sc_bundles>
